<compile_context>
chip_gen: v7x
topology: tpu7x:2x2x1
jax: 0.10.2.dev20260603
libtpu: 0.0.44.dev20260713+nightly
codegen_flags: <defaults>
</compile_context>

<pallas_src>
import functools

import numpy as np
import jax
import jax.numpy as jnp
from jax import lax
from jax.experimental import pallas as pl
from jax.experimental.pallas import tpu as pltpu
from jax.experimental.pallas import tpu_sc as plsc

NCLS = 16
BATCH = 16384
_L = 16
_SEG = BATCH // _L


def _argmax_body(x_ref, o_ref):
    x = x_ref[...]
    m = jnp.max(x, axis=0, keepdims=True)
    ii = lax.broadcasted_iota(jnp.int32, x.shape, 0)
    cand = jnp.where(x == m, ii, jnp.int32(x.shape[0]))
    o_ref[...] = jnp.min(cand, axis=0)


def _compact_body(pred_hbm, neg1_hbm, out_hbm, pred_v, buf_v, out_v, sem1, sem2):
    wid = lax.axis_index("s") * 2 + lax.axis_index("c")

    @pl.when(wid < NCLS)
    def _():
        cls = wid
        cp1 = pltpu.async_copy(pred_hbm, pred_v, sem1)
        cp2 = pltpu.async_copy(neg1_hbm, out_v.at[pl.ds(0, BATCH)], sem2)

        lane = lax.iota(jnp.int32, _L)
        ones = jnp.full((_L,), 1, jnp.int32)
        zeros = jnp.full((_L,), 0, jnp.int32)
        cls_v = jnp.full((_L,), cls, jnp.int32)
        base_v = lane * jnp.full((_L,), _SEG, jnp.int32)
        phase_v = lane - jnp.full((_L,), _L - 1, jnp.int32)
        seg_v = jnp.full((_L,), _SEG, jnp.int32)
        cp1.wait()

        sixteen = jnp.full((_L,), _L, jnp.int32)

        def body(j, p16_v):
            e_v = phase_v + jnp.full((_L,), j, jnp.int32)
            valid = (e_v >= zeros) & (e_v < seg_v)
            idx16 = base_v + e_v
            v = plsc.load_gather(pred_v, [idx16], mask=valid)
            mask = valid & (v == cls_v)
            plsc.store_scatter(buf_v, [p16_v + lane], idx16)
            return p16_v + jnp.where(mask, sixteen, zeros)

        with jax.named_scope("phaseA"):
            p16_v = lax.fori_loop(0, _SEG + _L - 1, body, zeros, unroll=4)
        cnt_v = lax.shift_right_logical(p16_v, jnp.full((_L,), 4, jnp.int32))

        inc = plsc.cumsum(cnt_v)
        off_v = inc - cnt_v
        maxd = jnp.max(cnt_v)
        cp2.wait()

        def merge(d, carry):
            w = buf_v[pl.ds(d * _L, _L)]
            d_v = jnp.full((_L,), d, jnp.int32)
            mask = d_v < cnt_v
            plsc.store_scatter(out_v, [off_v + d_v], w, mask=mask)
            return carry

        with jax.named_scope("merge"):
            lax.fori_loop(0, maxd, merge, 0)
        with jax.named_scope("dma_out"):
            pltpu.sync_copy(out_v.at[pl.ds(0, BATCH)], out_hbm.at[cls])


_NEG1 = np.full((BATCH,), -1, np.int32)


def kernel(predictions):
    pred = pl.pallas_call(
        _argmax_body,
        out_shape=jax.ShapeDtypeStruct((BATCH,), jnp.int32),
    )(predictions.T)

    mesh = plsc.VectorSubcoreMesh(core_axis_name="c", subcore_axis_name="s")
    compact = pl.kernel(
        _compact_body,
        out_type=jax.ShapeDtypeStruct((NCLS, BATCH), jnp.int32),
        mesh=mesh,
        compiler_params=pltpu.CompilerParams(needs_layout_passes=False),
        scratch_types=[
            pltpu.VMEM((BATCH,), jnp.int32),
            pltpu.VMEM((BATCH + _L,), jnp.int32),
            pltpu.VMEM((BATCH + _L,), jnp.int32),
            pltpu.SemaphoreType.DMA,
            pltpu.SemaphoreType.DMA,
        ],
    )
    out = compact(pred, jnp.asarray(_NEG1))
    return out.astype(jnp.int64)

# --- scband reference (transcript-rebuilt; emitter-appended) ---
"""Pipeline reference for scband-input-separation-layer-3770981285923 (READ-ONLY COPY).

The authoritative reference and input builder live on the scoring server;
editing this copy changes nothing except your own understanding.
"""

import jax, jax.numpy as jnp
import numpy as np

NUM_CLASSES = 16
BATCH = 16384


def setup_inputs(seed: int = 0) -> dict:
    key = jax.random.key(seed)
    predictions = jax.random.normal(key, (BATCH, NUM_CLASSES), dtype=jnp.float32)
    return {"predictions": predictions}


def reference(predictions):
    # Faithful translation of InputSeparationLayer.call:
    #   pred = argmax(predictions, axis=1); for each class cls in classes_config,
    #   collect flat indices where pred == cls (empty -> no indices).
    # The TF version returns a dict of ragged index tensors. For fixed shapes in
    # JAX we return a stacked [NUM_CLASSES, BATCH] int64 array where each row
    # holds the indices for that class, padded with -1 (the 'absent' sentinel).
    pred = jnp.argmax(predictions, axis=1).astype(jnp.int32)
    B = predictions.shape[0]
    outs = []
    for cls in range(NUM_CLASSES):
        idx = jnp.where(pred == cls, size=B, fill_value=-1)[0].astype(jnp.int64)
        outs.append(idx)
    return jnp.stack(outs, axis=0)

if __name__ == "__main__":
    import jax
    _d = setup_inputs()
    print(jax.jit(kernel)(*tuple(_d.values())))

</pallas_src>

<mosaic_0001>
#map = affine_map<(d0, d1) -> (0)>
#map1 = affine_map<(d0, d1) -> (0, 0)>
module attributes {stable_mosaic.version = 14 : i64} {
  func.func @_compact_body(%arg0: i32, %arg1: i32, %arg2: memref<16384xi32, #tpu.memory_space<hbm>>, %arg3: memref<16384xi32, #tpu.memory_space<hbm>>, %arg4: memref<16x16384xi32, #tpu.memory_space<hbm>>, %arg5: memref<16384xi32, #tpu.memory_space<vmem>>, %arg6: memref<16400xi32, #tpu.memory_space<vmem>>, %arg7: memref<16400xi32, #tpu.memory_space<vmem>>, %arg8: memref<!tpu.dma_semaphore, #tpu.memory_space<semaphore_mem>>, %arg9: memref<!tpu.dma_semaphore, #tpu.memory_space<semaphore_mem>>) attributes {dimension_semantics = [#tpu.dimension_semantics<core_parallel>, #tpu.dimension_semantics<subcore_parallel>], iteration_bounds = array<i64: 2, 16>, scalar_prefetch = 0 : i64, scratch_operands = 5 : i64, tpu.core_type = #tpu.core_type<sc_vector_subcore>, window_params = [{transform_indices = #map}, {transform_indices = #map}, {transform_indices = #map1}]} {
    %mul3A = arith.constant 2 : i32
    %mul3A_0 = arith.muli %arg1, %mul3A : i32
    %add3A = arith.addi %mul3A_0, %arg0 : i32
    %lt3A = arith.constant 16 : i32
    %lt3A_1 = arith.cmpi slt, %add3A, %lt3A : i32
    %convert_element_type3A = arith.extui %lt3A_1 : i1 to i32
    %cond3A = arith.constant 0 : i32
    %cond3A_2 = arith.cmpi ne, %convert_element_type3A, %cond3A : i32
    scf.if %cond3A_2 {
      tpu.enqueue_dma source(%arg2 : memref<16384xi32, #tpu.memory_space<hbm>>) target(%arg5 : memref<16384xi32, #tpu.memory_space<vmem>>) target_semaphore(%arg8 : memref<!tpu.dma_semaphore, #tpu.memory_space<semaphore_mem>>)
      %dma_start3A = arith.constant 0 : i32
      %dma_start3A_3 = tpu.memref_slice %arg7[%dma_start3A] : memref<16400xi32, #tpu.memory_space<vmem>> -> memref<16384xi32, #tpu.memory_space<vmem>>
      %dma_start3A_4 = arith.constant 0 : i32
      %dma_start3A_5 = tpu.memref_slice %arg7[%dma_start3A_4] : memref<16400xi32, #tpu.memory_space<vmem>> -> memref<16384xi32, #tpu.memory_space<vmem>>
      tpu.enqueue_dma source(%arg3 : memref<16384xi32, #tpu.memory_space<hbm>>) target(%dma_start3A_5 : memref<16384xi32, #tpu.memory_space<vmem>>) target_semaphore(%arg9 : memref<!tpu.dma_semaphore, #tpu.memory_space<semaphore_mem>>)
      %iota3A = tpu.iota {dimensions = array<i32: 0>} : vector<16xi32>
      %broadcast_in_dim3A = arith.constant 1 : i32
      %broadcast_in_dim3A_6 = vector.broadcast %broadcast_in_dim3A : i32 to vector<16xi32>
      %broadcast_in_dim3A_7 = arith.constant 0 : i32
      %broadcast_in_dim3A_8 = vector.broadcast %broadcast_in_dim3A_7 : i32 to vector<16xi32>
      %broadcast_in_dim3A_9 = vector.broadcast %add3A : i32 to vector<16xi32>
      %broadcast_in_dim3A_10 = arith.constant 1024 : i32
      %broadcast_in_dim3A_11 = vector.broadcast %broadcast_in_dim3A_10 : i32 to vector<16xi32>
      %mul3A_12 = arith.muli %iota3A, %broadcast_in_dim3A_11 : vector<16xi32>
      %broadcast_in_dim3A_13 = arith.constant 15 : i32
      %broadcast_in_dim3A_14 = vector.broadcast %broadcast_in_dim3A_13 : i32 to vector<16xi32>
      %sub3A = arith.subi %iota3A, %broadcast_in_dim3A_14 : vector<16xi32>
      %broadcast_in_dim3A_15 = arith.constant 1024 : i32
      %broadcast_in_dim3A_16 = vector.broadcast %broadcast_in_dim3A_15 : i32 to vector<16xi32>
      tpu.wait_dma2 semaphore(%arg8 : memref<!tpu.dma_semaphore, #tpu.memory_space<semaphore_mem>>) src(%arg2 : memref<16384xi32, #tpu.memory_space<hbm>>) dst(%arg5 : memref<16384xi32, #tpu.memory_space<vmem>>)
      %broadcast_in_dim3A_17 = arith.constant 16 : i32
      %broadcast_in_dim3A_18 = vector.broadcast %broadcast_in_dim3A_17 : i32 to vector<16xi32>
      "tpu.trace_start"() <{level = 10 : i32, message = "phaseA"}> : () -> ()
      %scan3A = arith.constant 0 : i32
      %scan3A_19 = arith.constant 1036 : i32
      %scan3A_20 = arith.addi %scan3A, %scan3A_19 : i32
      %scan3A_21 = arith.constant 4 : i32
      %scan3A_22 = scf.for %scan3A_85 = %scan3A to %scan3A_20 step %scan3A_21 iter_args(%scan3A_86 = %broadcast_in_dim3A_8) -> (vector<16xi32>)  : i32 {
        %broadcast_in_dim3A_87 = vector.broadcast %scan3A_85 : i32 to vector<16xi32>
        %add3A_88 = arith.addi %sub3A, %broadcast_in_dim3A_87 : vector<16xi32>
        %ge3A_89 = arith.cmpi sge, %add3A_88, %broadcast_in_dim3A_8 : vector<16xi32>
        %lt3A_90 = arith.cmpi slt, %add3A_88, %broadcast_in_dim3A_16 : vector<16xi32>
        %and3A_91 = arith.andi %ge3A_89, %lt3A_90 : vector<16xi1>
        %add3A_92 = arith.addi %mul3A_12, %add3A_88 : vector<16xi32>
        %gather3A_93 = tpu.vector_load_idx %arg5[%add3A_92] masked %and3A_91 : memref<16384xi32, #tpu.memory_space<vmem>>[vector<16xi32>], vector<16xi32>, vector<16xi1>
        %eq3A_94 = arith.cmpi eq, %gather3A_93, %broadcast_in_dim3A_9 : vector<16xi32>
        %and3A_95 = arith.andi %and3A_91, %eq3A_94 : vector<16xi1>
        %add3A_96 = arith.addi %scan3A_86, %iota3A : vector<16xi32>
        tpu.vector_store_idx %arg6[%add3A_96], %add3A_92 : memref<16400xi32, #tpu.memory_space<vmem>>[vector<16xi32>], vector<16xi32>,
        %select_n3A_97 = arith.select %and3A_95, %broadcast_in_dim3A_18, %broadcast_in_dim3A_8 : vector<16xi1>, vector<16xi32>
        %add3A_98 = arith.addi %scan3A_86, %select_n3A_97 : vector<16xi32>
        %scan3A_99 = arith.constant 1 : i32
        %scan3A_100 = arith.addi %scan3A_85, %scan3A_99 : i32
        %broadcast_in_dim3A_101 = vector.broadcast %scan3A_100 : i32 to vector<16xi32>
        %add3A_102 = arith.addi %sub3A, %broadcast_in_dim3A_101 : vector<16xi32>
        %ge3A_103 = arith.cmpi sge, %add3A_102, %broadcast_in_dim3A_8 : vector<16xi32>
        %lt3A_104 = arith.cmpi slt, %add3A_102, %broadcast_in_dim3A_16 : vector<16xi32>
        %and3A_105 = arith.andi %ge3A_103, %lt3A_104 : vector<16xi1>
        %add3A_106 = arith.addi %mul3A_12, %add3A_102 : vector<16xi32>
        %gather3A_107 = tpu.vector_load_idx %arg5[%add3A_106] masked %and3A_105 : memref<16384xi32, #tpu.memory_space<vmem>>[vector<16xi32>], vector<16xi32>, vector<16xi1>
        %eq3A_108 = arith.cmpi eq, %gather3A_107, %broadcast_in_dim3A_9 : vector<16xi32>
        %and3A_109 = arith.andi %and3A_105, %eq3A_108 : vector<16xi1>
        %add3A_110 = arith.addi %add3A_98, %iota3A : vector<16xi32>
        tpu.vector_store_idx %arg6[%add3A_110], %add3A_106 : memref<16400xi32, #tpu.memory_space<vmem>>[vector<16xi32>], vector<16xi32>,
        %select_n3A_111 = arith.select %and3A_109, %broadcast_in_dim3A_18, %broadcast_in_dim3A_8 : vector<16xi1>, vector<16xi32>
        %add3A_112 = arith.addi %add3A_98, %select_n3A_111 : vector<16xi32>
        %scan3A_113 = arith.constant 2 : i32
        %scan3A_114 = arith.addi %scan3A_85, %scan3A_113 : i32
        %broadcast_in_dim3A_115 = vector.broadcast %scan3A_114 : i32 to vector<16xi32>
        %add3A_116 = arith.addi %sub3A, %broadcast_in_dim3A_115 : vector<16xi32>
        %ge3A_117 = arith.cmpi sge, %add3A_116, %broadcast_in_dim3A_8 : vector<16xi32>
        %lt3A_118 = arith.cmpi slt, %add3A_116, %broadcast_in_dim3A_16 : vector<16xi32>
        %and3A_119 = arith.andi %ge3A_117, %lt3A_118 : vector<16xi1>
        %add3A_120 = arith.addi %mul3A_12, %add3A_116 : vector<16xi32>
        %gather3A_121 = tpu.vector_load_idx %arg5[%add3A_120] masked %and3A_119 : memref<16384xi32, #tpu.memory_space<vmem>>[vector<16xi32>], vector<16xi32>, vector<16xi1>
        %eq3A_122 = arith.cmpi eq, %gather3A_121, %broadcast_in_dim3A_9 : vector<16xi32>
        %and3A_123 = arith.andi %and3A_119, %eq3A_122 : vector<16xi1>
        %add3A_124 = arith.addi %add3A_112, %iota3A : vector<16xi32>
        tpu.vector_store_idx %arg6[%add3A_124], %add3A_120 : memref<16400xi32, #tpu.memory_space<vmem>>[vector<16xi32>], vector<16xi32>,
        %select_n3A_125 = arith.select %and3A_123, %broadcast_in_dim3A_18, %broadcast_in_dim3A_8 : vector<16xi1>, vector<16xi32>
        %add3A_126 = arith.addi %add3A_112, %select_n3A_125 : vector<16xi32>
        %scan3A_127 = arith.constant 3 : i32
        %scan3A_128 = arith.addi %scan3A_85, %scan3A_127 : i32
        %broadcast_in_dim3A_129 = vector.broadcast %scan3A_128 : i32 to vector<16xi32>
        %add3A_130 = arith.addi %sub3A, %broadcast_in_dim3A_129 : vector<16xi32>
        %ge3A_131 = arith.cmpi sge, %add3A_130, %broadcast_in_dim3A_8 : vector<16xi32>
        %lt3A_132 = arith.cmpi slt, %add3A_130, %broadcast_in_dim3A_16 : vector<16xi32>
        %and3A_133 = arith.andi %ge3A_131, %lt3A_132 : vector<16xi1>
        %add3A_134 = arith.addi %mul3A_12, %add3A_130 : vector<16xi32>
        %gather3A_135 = tpu.vector_load_idx %arg5[%add3A_134] masked %and3A_133 : memref<16384xi32, #tpu.memory_space<vmem>>[vector<16xi32>], vector<16xi32>, vector<16xi1>
        %eq3A_136 = arith.cmpi eq, %gather3A_135, %broadcast_in_dim3A_9 : vector<16xi32>
        %and3A_137 = arith.andi %and3A_133, %eq3A_136 : vector<16xi1>
        %add3A_138 = arith.addi %add3A_126, %iota3A : vector<16xi32>
        tpu.vector_store_idx %arg6[%add3A_138], %add3A_134 : memref<16400xi32, #tpu.memory_space<vmem>>[vector<16xi32>], vector<16xi32>,
        %select_n3A_139 = arith.select %and3A_137, %broadcast_in_dim3A_18, %broadcast_in_dim3A_8 : vector<16xi1>, vector<16xi32>
        %add3A_140 = arith.addi %add3A_126, %select_n3A_139 : vector<16xi32>
        scf.yield %add3A_140 : vector<16xi32>
      }
      %scan3A_23 = arith.constant 1036 : i32
      %scan3A_24 = arith.addi %scan3A, %scan3A_23 : i32
      %broadcast_in_dim3A_25 = vector.broadcast %scan3A_24 : i32 to vector<16xi32>
      %add3A_26 = arith.addi %sub3A, %broadcast_in_dim3A_25 : vector<16xi32>
      %ge3A = arith.cmpi sge, %add3A_26, %broadcast_in_dim3A_8 : vector<16xi32>
      %lt3A_27 = arith.cmpi slt, %add3A_26, %broadcast_in_dim3A_16 : vector<16xi32>
      %and3A = arith.andi %ge3A, %lt3A_27 : vector<16xi1>
      %add3A_28 = arith.addi %mul3A_12, %add3A_26 : vector<16xi32>
      %gather3A = tpu.vector_load_idx %arg5[%add3A_28] masked %and3A : memref<16384xi32, #tpu.memory_space<vmem>>[vector<16xi32>], vector<16xi32>, vector<16xi1>
      %eq3A = arith.cmpi eq, %gather3A, %broadcast_in_dim3A_9 : vector<16xi32>
      %and3A_29 = arith.andi %and3A, %eq3A : vector<16xi1>
      %add3A_30 = arith.addi %scan3A_22, %iota3A : vector<16xi32>
      tpu.vector_store_idx %arg6[%add3A_30], %add3A_28 : memref<16400xi32, #tpu.memory_space<vmem>>[vector<16xi32>], vector<16xi32>,
      %select_n3A = arith.select %and3A_29, %broadcast_in_dim3A_18, %broadcast_in_dim3A_8 : vector<16xi1>, vector<16xi32>
      %add3A_31 = arith.addi %scan3A_22, %select_n3A : vector<16xi32>
      %scan3A_32 = arith.constant 1037 : i32
      %scan3A_33 = arith.addi %scan3A, %scan3A_32 : i32
      %broadcast_in_dim3A_34 = vector.broadcast %scan3A_33 : i32 to vector<16xi32>
      %add3A_35 = arith.addi %sub3A, %broadcast_in_dim3A_34 : vector<16xi32>
      %ge3A_36 = arith.cmpi sge, %add3A_35, %broadcast_in_dim3A_8 : vector<16xi32>
      %lt3A_37 = arith.cmpi slt, %add3A_35, %broadcast_in_dim3A_16 : vector<16xi32>
      %and3A_38 = arith.andi %ge3A_36, %lt3A_37 : vector<16xi1>
      %add3A_39 = arith.addi %mul3A_12, %add3A_35 : vector<16xi32>
      %gather3A_40 = tpu.vector_load_idx %arg5[%add3A_39] masked %and3A_38 : memref<16384xi32, #tpu.memory_space<vmem>>[vector<16xi32>], vector<16xi32>, vector<16xi1>
      %eq3A_41 = arith.cmpi eq, %gather3A_40, %broadcast_in_dim3A_9 : vector<16xi32>
      %and3A_42 = arith.andi %and3A_38, %eq3A_41 : vector<16xi1>
      %add3A_43 = arith.addi %add3A_31, %iota3A : vector<16xi32>
      tpu.vector_store_idx %arg6[%add3A_43], %add3A_39 : memref<16400xi32, #tpu.memory_space<vmem>>[vector<16xi32>], vector<16xi32>,
      %select_n3A_44 = arith.select %and3A_42, %broadcast_in_dim3A_18, %broadcast_in_dim3A_8 : vector<16xi1>, vector<16xi32>
      %add3A_45 = arith.addi %add3A_31, %select_n3A_44 : vector<16xi32>
      %scan3A_46 = arith.constant 1038 : i32
      %scan3A_47 = arith.addi %scan3A, %scan3A_46 : i32
      %broadcast_in_dim3A_48 = vector.broadcast %scan3A_47 : i32 to vector<16xi32>
      %add3A_49 = arith.addi %sub3A, %broadcast_in_dim3A_48 : vector<16xi32>
      %ge3A_50 = arith.cmpi sge, %add3A_49, %broadcast_in_dim3A_8 : vector<16xi32>
      %lt3A_51 = arith.cmpi slt, %add3A_49, %broadcast_in_dim3A_16 : vector<16xi32>
      %and3A_52 = arith.andi %ge3A_50, %lt3A_51 : vector<16xi1>
      %add3A_53 = arith.addi %mul3A_12, %add3A_49 : vector<16xi32>
      %gather3A_54 = tpu.vector_load_idx %arg5[%add3A_53] masked %and3A_52 : memref<16384xi32, #tpu.memory_space<vmem>>[vector<16xi32>], vector<16xi32>, vector<16xi1>
      %eq3A_55 = arith.cmpi eq, %gather3A_54, %broadcast_in_dim3A_9 : vector<16xi32>
      %and3A_56 = arith.andi %and3A_52, %eq3A_55 : vector<16xi1>
      %add3A_57 = arith.addi %add3A_45, %iota3A : vector<16xi32>
      tpu.vector_store_idx %arg6[%add3A_57], %add3A_53 : memref<16400xi32, #tpu.memory_space<vmem>>[vector<16xi32>], vector<16xi32>,
      %select_n3A_58 = arith.select %and3A_56, %broadcast_in_dim3A_18, %broadcast_in_dim3A_8 : vector<16xi1>, vector<16xi32>
      %add3A_59 = arith.addi %add3A_45, %select_n3A_58 : vector<16xi32>
      %scan3A_60 = arith.constant 1039 : i32
      %broadcast_in_dim3A_61 = arith.constant 4 : i32
      "tpu.trace_stop"() : () -> ()
      %broadcast_in_dim3A_62 = vector.broadcast %broadcast_in_dim3A_61 : i32 to vector<16xi32>
      %shift_right_logical3A = arith.shrui %add3A_59, %broadcast_in_dim3A_62 : vector<16xi32>
      %broadcast_in_dim3A_63 = arith.constant true
      %broadcast_in_dim3A_64 = vector.broadcast %broadcast_in_dim3A_63 : i1 to vector<16xi1>
      %masked_cumsum3A = tpu.scan <sum>, %shift_right_logical3A masked %broadcast_in_dim3A_64 : vector<16xi32>, vector<16xi1> -> vector<16xi32>
      %sub3A_65 = arith.subi %masked_cumsum3A, %shift_right_logical3A : vector<16xi32>
      %reduce_max3A = arith.constant true
      %reduce_max3A_66 = vector.broadcast %reduce_max3A : i1 to vector<16xi1>
      %reduce_max3A_67 = arith.constant -2147483648 : i32
      %reduce_max3A_68 = vector.broadcast %reduce_max3A_67 : i32 to vector<16xi32>
      %reduce_max3A_69 = arith.xori %shift_right_logical3A, %reduce_max3A_68 : vector<16xi32>
      %reduce_max3A_70 = tpu.scan <max>, %reduce_max3A_69 masked %reduce_max3A_66 : vector<16xi32>, vector<16xi1> -> vector<16xi32>
      %reduce_max3A_71 = arith.xori %reduce_max3A_70, %reduce_max3A_68 : vector<16xi32>
      %reduce_max3A_72 = vector.extract %reduce_max3A_71[15] : i32 from vector<16xi32>
      %dma_wait3A = arith.constant 0 : i32
      %dma_wait3A_73 = tpu.memref_slice %arg7[%dma_wait3A] : memref<16400xi32, #tpu.memory_space<vmem>> -> memref<16384xi32, #tpu.memory_space<vmem>>
      %dma_wait3A_74 = arith.constant 0 : i32
      %dma_wait3A_75 = tpu.memref_slice %arg7[%dma_wait3A_74] : memref<16400xi32, #tpu.memory_space<vmem>> -> memref<16384xi32, #tpu.memory_space<vmem>>
      tpu.wait_dma2 semaphore(%arg9 : memref<!tpu.dma_semaphore, #tpu.memory_space<semaphore_mem>>) src(%arg3 : memref<16384xi32, #tpu.memory_space<hbm>>) dst(%dma_wait3A_75 : memref<16384xi32, #tpu.memory_space<vmem>>)
      %while3A = arith.constant 0 : i32
      %while3A_76 = arith.constant 0 : i32
      "tpu.trace_start"() <{level = 10 : i32, message = "merge"}> : () -> ()
      %while3A_77 = arith.subi %reduce_max3A_72, %while3A_76 : i32
      %while3A_78 = arith.addi %while3A_76, %while3A_77 : i32
      %while3A_79 = arith.constant 1 : i32
      %while3A_80 = arith.divsi %while3A_77, %while3A_79 : i32
      %while3A_81 = arith.muli %while3A_80, %while3A_79 : i32
      %while3A_82 = arith.addi %while3A_76, %while3A_81 : i32
      %while3A_83 = arith.constant 1 : i32
      scf.for %while3A_85 = %while3A_76 to %while3A_82 step %while3A_83  : i32 {
        %mul3A_86 = arith.constant 16 : i32
        %mul3A_87 = arith.muli %while3A_85, %mul3A_86 : i32
        %get3A = arith.index_cast %mul3A_87 : i32 to index
        %get3A_88 = tpu.vector_load %arg6[%get3A] {strides = array<i32>} : memref<16400xi32, #tpu.memory_space<vmem>>, vector<16xi32>,
        %broadcast_in_dim3A_89 = vector.broadcast %while3A_85 : i32 to vector<16xi32>
        %lt3A_90 = arith.cmpi slt, %broadcast_in_dim3A_89, %shift_right_logical3A : vector<16xi32>
        %add3A_91 = arith.addi %sub3A_65, %broadcast_in_dim3A_89 : vector<16xi32>
        tpu.vector_store_idx %arg7[%add3A_91], %get3A_88 masked %lt3A_90 : memref<16400xi32, #tpu.memory_space<vmem>>[vector<16xi32>], vector<16xi32>, vector<16xi1>
      }
      %while3A_84 = arith.constant 1 : i32
      scf.for %while3A_85 = %while3A_82 to %while3A_78 step %while3A_84  : i32 {
        %mul3A_86 = arith.constant 16 : i32
        %mul3A_87 = arith.muli %while3A_85, %mul3A_86 : i32
        %get3A = arith.index_cast %mul3A_87 : i32 to index
        %get3A_88 = tpu.vector_load %arg6[%get3A] {strides = array<i32>} : memref<16400xi32, #tpu.memory_space<vmem>>, vector<16xi32>,
        %broadcast_in_dim3A_89 = vector.broadcast %while3A_85 : i32 to vector<16xi32>
        %lt3A_90 = arith.cmpi slt, %broadcast_in_dim3A_89, %shift_right_logical3A : vector<16xi32>
        %add3A_91 = arith.addi %sub3A_65, %broadcast_in_dim3A_89 : vector<16xi32>
        tpu.vector_store_idx %arg7[%add3A_91], %get3A_88 masked %lt3A_90 : memref<16400xi32, #tpu.memory_space<vmem>>[vector<16xi32>], vector<16xi32>, vector<16xi1>
      }
      "tpu.trace_stop"() : () -> ()
      "tpu.trace_start"() <{level = 10 : i32, message = "dma_out"}> : () -> ()
      "tpu.region"() ({
        %run_scoped3A = tpu.sem_alloc : memref<!tpu.dma_semaphore, #tpu.memory_space<semaphore_mem>>
        %dma_start3A_85 = arith.constant 0 : i32
        %dma_start3A_86 = tpu.memref_slice %arg7[%dma_start3A_85] : memref<16400xi32, #tpu.memory_space<vmem>> -> memref<16384xi32, #tpu.memory_space<vmem>>
        %dma_start3A_87 = arith.constant 0 : i32
        %dma_start3A_88 = tpu.memref_slice %arg4[%add3A, %dma_start3A_87] : memref<16x16384xi32, #tpu.memory_space<hbm>> -> memref<1x16384xi32, #tpu.memory_space<hbm>>
        %dma_start3A_89 = tpu.memref_squeeze %dma_start3A_88 : memref<1x16384xi32, #tpu.memory_space<hbm>> -> memref<16384xi32, #tpu.memory_space<hbm>>
        %dma_start3A_90 = arith.constant 0 : i32
        %dma_start3A_91 = tpu.memref_slice %arg4[%add3A, %dma_start3A_90] : memref<16x16384xi32, #tpu.memory_space<hbm>> -> memref<1x16384xi32, #tpu.memory_space<hbm>>
        %dma_start3A_92 = tpu.memref_squeeze %dma_start3A_91 : memref<1x16384xi32, #tpu.memory_space<hbm>> -> memref<16384xi32, #tpu.memory_space<hbm>>
        %dma_start3A_93 = arith.constant 0 : i32
        %dma_start3A_94 = tpu.memref_slice %arg7[%dma_start3A_93] : memref<16400xi32, #tpu.memory_space<vmem>> -> memref<16384xi32, #tpu.memory_space<vmem>>
        tpu.enqueue_dma source(%dma_start3A_94 : memref<16384xi32, #tpu.memory_space<vmem>>) target(%dma_start3A_92 : memref<16384xi32, #tpu.memory_space<hbm>>) target_semaphore(%run_scoped3A : memref<!tpu.dma_semaphore, #tpu.memory_space<semaphore_mem>>)
        %dma_wait3A_95 = arith.constant 0 : i32
        %dma_wait3A_96 = tpu.memref_slice %arg7[%dma_wait3A_95] : memref<16400xi32, #tpu.memory_space<vmem>> -> memref<16384xi32, #tpu.memory_space<vmem>>
        %dma_wait3A_97 = arith.constant 0 : i32
        %dma_wait3A_98 = tpu.memref_slice %arg4[%add3A, %dma_wait3A_97] : memref<16x16384xi32, #tpu.memory_space<hbm>> -> memref<1x16384xi32, #tpu.memory_space<hbm>>
        %dma_wait3A_99 = tpu.memref_squeeze %dma_wait3A_98 : memref<1x16384xi32, #tpu.memory_space<hbm>> -> memref<16384xi32, #tpu.memory_space<hbm>>
        %dma_wait3A_100 = arith.constant 0 : i32
        %dma_wait3A_101 = tpu.memref_slice %arg4[%add3A, %dma_wait3A_100] : memref<16x16384xi32, #tpu.memory_space<hbm>> -> memref<1x16384xi32, #tpu.memory_space<hbm>>
        %dma_wait3A_102 = tpu.memref_squeeze %dma_wait3A_101 : memref<1x16384xi32, #tpu.memory_space<hbm>> -> memref<16384xi32, #tpu.memory_space<hbm>>
        %dma_wait3A_103 = arith.constant 0 : i32
        %dma_wait3A_104 = tpu.memref_slice %arg7[%dma_wait3A_103] : memref<16400xi32, #tpu.memory_space<vmem>> -> memref<16384xi32, #tpu.memory_space<vmem>>
        tpu.wait_dma2 semaphore(%run_scoped3A : memref<!tpu.dma_semaphore, #tpu.memory_space<semaphore_mem>>) src(%dma_wait3A_104 : memref<16384xi32, #tpu.memory_space<vmem>>) dst(%dma_wait3A_102 : memref<16384xi32, #tpu.memory_space<hbm>>)
        tpu.yield
      }) : () -> ()
      "tpu.trace_stop"() : () -> ()
    } else {
    }
    return
  }
}

module attributes {stable_mosaic.version = 14 : i64} {
  func.func @_argmax_body(%arg0: memref<16x16384xf32, #tpu.memory_space<vmem>>, %arg1: memref<16384xi32, #tpu.memory_space<vmem>>) attributes {dimension_semantics = [], scalar_prefetch = 0 : i64, scratch_operands = 0 : i64, tpu.core_type = #tpu.core_type<tc>} {
    %get3A = arith.constant 0 : index
    %get3A_0 = arith.constant 0 : index
    %get3A_1 = vector.load %arg0[%get3A, %get3A_0] : memref<16x16384xf32, #tpu.memory_space<vmem>>, vector<16x16384xf32>
    %reduce_max3A = arith.constant dense<0xFF800000> : vector<16384xf32>
    %reduce_max3A_2 = vector.multi_reduction <maximumf>, %get3A_1, %reduce_max3A [0] : vector<16x16384xf32> to vector<16384xf32>
    %broadcast_in_dim3A = vector.shape_cast %reduce_max3A_2 : vector<16384xf32> to vector<1x16384xf32>
    %iota3A = tpu.iota {dimensions = array<i32: 0>} : vector<16x16384xi32>
    %eq3A = vector.broadcast %broadcast_in_dim3A : vector<1x16384xf32> to vector<16x16384xf32>
    %eq3A_3 = arith.cmpf oeq, %get3A_1, %eq3A : vector<16x16384xf32>
    %jit3A = arith.constant 16 : i32
    %broadcast_in_dim3A_4 = vector.broadcast %jit3A : i32 to vector<16x16384xi32>
    %select_n3A = arith.select %eq3A_3, %iota3A, %broadcast_in_dim3A_4 : vector<16x16384xi1>, vector<16x16384xi32>
    %reduce_min3A = arith.constant dense<2147483647> : vector<16384xi32>
    %reduce_min3A_5 = vector.multi_reduction <minsi>, %select_n3A, %reduce_min3A [0] : vector<16x16384xi32> to vector<16384xi32>
    %swap3A = arith.constant 0 : index
    %swap3A_6 = vector.load %arg1[%swap3A] : memref<16384xi32, #tpu.memory_space<vmem>>, vector<16384xi32>
    tpu.vector_store %arg1[%swap3A], %reduce_min3A_5 {strides = array<i32>} : memref<16384xi32, #tpu.memory_space<vmem>>, vector<16384xi32>,
    return
  }
}

</mosaic_0001>

<sc_bundles>
// kernel: kernel.4.cloned.1.call-start
scs
__scs_entry_jumppad:
0x0: {  	(pc) =	sbr.rel $0x88, $3  }
0x1: {  	(tag) =	ssettag $0x0;
	lr =	simm.s32 $0x1  }
0x2: {  	[smem:$0x3FA0] =	sst lr;
	_ =	strace $0xD0000000  }
0x3: {  	_ = 	snop  }
0x4: {  	_ = 	snop  }
0x5: {  	_ = 	snop  }
0x6: {  	_ = 	snop  }
0x7: {  	_ = 	snop  }
__scs_overlays_trampoline_lowered:
0x8: {  	[smem:$0x3FAF] =	sst s0  }
0x9: {  	[smem:$0x3FB0] =	sst s1  }
0xa: {  	[smem:$0x3FB1] =	sst s2  }
0xb: {  	[smem:$0x3FB2] =	sst s3  }
0xc: {  	[smem:$0x3FB3] =	sst s4  }
0xd: {  	[smem:$0x3FB4] =	sst s5  }
0xe: {  	[smem:$0x3FB5] =	sst s6  }
0xf: {  	[smem:$0x3FB6] =	sst s7  }
0x10: {  	[smem:$0x3FB7] =	sst s8  }
0x11: {  	[smem:$0x3FB8] =	sst s9;
	s0 =	simm.s32 @!p0 $0x0  }
0x12: {  	s1 =	sld [smem:$0x3F9E];
	s0 =	simm.s32 @p0 $0x1  }
0x13: {  	[smem:$0x3FB9] =	sst s0;
	s0 =	simm.s32 @!p1 $0x0  }
0x14: {  	s2 =	sld [smem:$0x3F9D];
	s0 =	simm.s32 @p1 $0x1  }
0x15: {  	[smem:$0x3FBA] =	sst s0;
	s0 =	simm.s32 @!p2 $0x0  }
0x16: {  	s3 =	sld [smem:$0x3FDB];
	s0 =	simm.s32 @p2 $0x1  }
0x17: {  	s4 =	simm.s32 $0x1BF5;
	[smem:$0x3FBC] =	sst s0  }
0x18: {  	s0 =	sld [smem:$0x3F9F];
	_ =	swait.ge [sflag:s4], $0x0  }
0x19: {  	s7 =	sld [smem:$0x3FA0]  }
0x1a: {  	s8 =	sadd.s32 $0xFFFFE003, lr  }
0x1b: {  	s9 =	sadd.s32 $0xFFFFFEF7, lr;
	s5 =	simm.s32 $0xFFFFFFFF;
	p2 =	slt.u32 s8, $0xFFFFF086  }
0x1c: {  	p1 =	slt.u32 s9, $0xF7A;
	s5 =	simm.s32 @!p2 $0x0  }
0x1d: {  	s5 =	simm.s32 @p1 $0x1;
	p0 =	seq.s32 s7, s2  }
0x1e: {  	s7 =	smul.u32 @!p0 $0xF7A, s2;
	p2 =	seq.s32 @!p0 s5, $0x0  }
0x1f: {  	s9 =	smul.u32 $0xF7A, s1;
	s8 =	simm.s32 @!p0 $0x1BF5;
	p2 =	por !p2, p0  }
0x20: {  	[sflag:s8] =	ssyncset.s32 @!p0 $0xFFFFF086;
	s6 =	sadd.s32 @!p0 s3, s7;
	s7 =	simm.s32 @!p0 $0x108  }
0x21: {  	s3 =	sadd.s32 s3, s9;
	s6 =	sadd.s32 @!p0 $0x88, s6;
	s7 =	simm.s32 @p2 $0x1082  }
0x22: {  	[simem:s7], [sflag:s8] =	dma.local @!p0 [hbm:s6], $0xF7A  }
0x23: {  	s9 =	sor.u32 $0xD0000000, s2;
	s6 =	simm.s32 $0x108;
	_ =	swait.ge @!p0 [sflag:s8], $0x0  }
0x24: {  	s3 =	sadd.s32 $0x88, s3;
	s6 =	simm.s32 @!p1 $0x1082;
	[sflag:s4] =	ssyncset.s32 $0xFFFFF086  }
0x25: {  	[simem:s6], [sflag:s4] =	dma.local [hbm:s3], $0xF7A  }
0x26: {  	[smem:$0x3FA0] =	sst s1;
	(tag) =	ssettag s2;
	_ =	strace s9  }
0x27: {  	s1 =	sld [smem:$0x3FB0]  }
0x28: {  	s2 =	sld [smem:$0x3FB1]  }
0x29: {  	s4 =	sld [smem:$0x3FB3]  }
0x2a: {  	p0 =	seq.s32 s5, $0x0;
	s5 =	sld [smem:$0x3FB4]  }
0x2b: {  	s6 =	sld [smem:$0x3FB5]  }
0x2c: {  	s7 =	sld [smem:$0x3FB6]  }
0x2d: {  	s3 =	simm.s32 $0x108;
	s8 =	sld [smem:$0x3FB7]  }
0x2e: {  	s3 =	simm.s32 @!p0 $0x1082;
	s9 =	sld [smem:$0x3FB8]  }
0x2f: {  	lr =	sadd.s32 s0, s3;
	s0 =	sld [smem:$0x3FAF]  }
0x30: {  	s3 =	sld [smem:$0x3FB2]  }
0x31: {  	[smem:$0x3FBB] =	sst s10  }
0x32: {  	s10 =	sld [smem:$0x3FB9];
	_ =	sdelay $0x3  }
0x33: {  	p0 =	seq.s32 s10, $0x1;
	s10 =	sld [smem:$0x3FBB];
	_ =	sdelay $0x3  }
0x34: {  	[smem:$0x3FBB] =	sst s10  }
0x35: {  	s10 =	sld [smem:$0x3FBA];
	_ =	sdelay $0x3  }
0x36: {  	p1 =	seq.s32 s10, $0x1;
	s10 =	sld [smem:$0x3FBB];
	_ =	sdelay $0x3  }
0x37: {  	[smem:$0x3FBB] =	sst s10  }
0x38: {  	s10 =	sld [smem:$0x3FBC]  }
0x39: {  	_ = 	snop;
	(pc) =	sbr.ind lr, $3  }
0x3a: {  	_ = 	snop  }
0x3b: {  	_ = 	snop  }
0x3c: {  	p2 =	seq.s32 s10, $0x1;
	s10 =	sld [smem:$0x3FBB]  }
0x3d: {  	_ =	shalt  }
0x3e: {  	_ =	shalt  }
0x3f: {  	_ =	shalt  }
0x40: {  	_ =	shalt  }
0x41: {  	_ =	shalt  }
0x42: {  	_ =	shalt  }
0x43: {  	_ =	shalt  }
0x44: {  	_ =	shalt  }
0x45: {  	_ =	shalt  }
0x46: {  	_ =	shalt  }
0x47: {  	_ =	shalt  }
0x48: {  	_ =	shalt  }
0x49: {  	_ =	shalt  }
0x4a: {  	_ =	shalt  }
0x4b: {  	_ =	shalt  }
0x4c: {  	_ =	shalt  }
0x4d: {  	_ =	shalt  }
0x4e: {  	_ =	shalt  }
0x4f: {  	_ =	shalt  }
0x50: {  	_ =	shalt  }
0x51: {  	_ =	shalt  }
0x52: {  	_ =	shalt  }
0x53: {  	_ =	shalt  }
0x54: {  	_ =	shalt  }
0x55: {  	_ =	shalt  }
0x56: {  	_ =	shalt  }
0x57: {  	_ =	shalt  }
0x58: {  	_ =	shalt  }
0x59: {  	_ =	shalt  }
0x5a: {  	_ =	shalt  }
0x5b: {  	_ =	shalt  }
0x5c: {  	_ =	shalt  }
0x5d: {  	_ =	shalt  }
0x5e: {  	_ =	shalt  }
0x5f: {  	_ =	shalt  }
0x60: {  	_ =	shalt  }
0x61: {  	_ =	shalt  }
0x62: {  	_ =	shalt  }
0x63: {  	_ =	shalt  }
0x64: {  	_ =	shalt  }
0x65: {  	_ =	shalt  }
0x66: {  	_ =	shalt  }
0x67: {  	_ =	shalt  }
0x68: {  	_ =	shalt  }
0x69: {  	_ =	shalt  }
0x6a: {  	_ =	shalt  }
0x6b: {  	_ =	shalt  }
0x6c: {  	_ =	shalt  }
0x6d: {  	_ =	shalt  }
0x6e: {  	_ =	shalt  }
0x6f: {  	_ =	shalt  }
0x70: {  	_ =	shalt  }
0x71: {  	_ =	shalt  }
0x72: {  	_ =	shalt  }
0x73: {  	_ =	shalt  }
0x74: {  	_ =	shalt  }
0x75: {  	_ =	shalt  }
0x76: {  	_ =	shalt  }
0x77: {  	_ =	shalt  }
0x78: {  	_ =	shalt  }
0x79: {  	_ =	shalt  }
0x7a: {  	_ =	shalt  }
0x7b: {  	_ =	shalt  }
0x7c: {  	_ =	shalt  }
0x7d: {  	_ =	shalt  }
0x7e: {  	_ =	shalt  }
0x7f: {  	_ =	shalt  }
0x80: {  	_ =	shalt  }
0x81: {  	_ =	shalt  }
0x82: {  	_ =	shalt  }
0x83: {  	_ =	shalt  }
0x84: {  	_ =	shalt  }
0x85: {  	_ =	shalt  }
0x86: {  	_ =	shalt  }
0x87: {  	_ =	shalt  }
.Lfunc_end0:
.L_simem_size_0:
called_computation_lowered:
.L_overlay_start_0:
0x88: {  	s2 =	sld [smem:$0x3FD9]  }
0x89: {  	s3 =	sld [smem:$0x3FFE];
	_ =	sdelay $0x1  }
0x8a: {  	s1 =	srdreg.scid  }
0x8b: {  	s0 =	sand.u32 $0x1, s1  }
0x8c: {  	s17 =	sshll.u32 s0, $0xA;
	s2 =	sadd.s32 s3, s2  }
0x8d: {  	s2 =	sadd.s32 s2, s17  }
0x8e: {  	[smem:$0x3FC7] =	sst s2  }
0x8f: {  	_ = 	snop  }
0x90: {  	s2 =	sld [smem:$0x3FD0];
	(tm) =	ssettm $0x1  }
0x91: {  	s18 =	sld [smem:$0x3FFB];
	_ =	sdelay $0x3  }
0x92: {  	_ =	strace s18  }
0x93: {  	s3 =	sld [smem:$0x3FFC];
	_ =	sdelay $0x3  }
0x94: {  	_ =	strace s3  }
0x95: {  	s3 =	sld [smem:$0x3FFD];
	_ =	sdelay $0x3  }
0x96: {  	_ =	strace s3  }
0x97: {  	_ =	strace $0x8FFFFFFF  }
0x98: {  	s19 =	sld [smem:$0x3FDB];
	_ =	sdelay $0x1  }
0x99: {  	s4 =	simm.s32 $_scs_section_size  }
0x9a: {  	s5 =	simm.s32 $_size__tile_overlayer_lowered;
	s6 =	simm.s32 $_tile_overlayer_lowered  }
0x9b: {  	s22 =	simm.s32 $0x1BFF;
	s21 =	sshll.u32 s6, $0x1;
	s3 =	sadd.s32 s4, s19  }
0x9c: {  	s7 =	simm.s32 $0x0;
	s20 =	sshll.u32 s5, $0x1;
	s5 =	sadd.s32 s21, s3  }
0x9d: {  	[timem:s7], [sflag:s22] =	dma.local [hbm:s5], s20  }
0x9e: {  	_ =	swait.ge [sflag:s22], s20  }
0x9f: {  	s4 =	ssub.s32 $0x0, s20;
	[sflag:s22] =	ssyncset.done $0x0  }
0xa0: {  	[sflag:s22] =	ssyncadd.s32 s4;
	_ =	sdelay $0x1  }
0xa1: {  	s23 =	simm.s32 $0x1B8B  }
0xa2: {  	_ =	swait.ge [sflag:s23], $0x1  }
0xa3: {  	[sflag:s23] =	ssyncset.done $0x0  }
0xa4: {  	s25 =	simm.s32 $0x1B8E;
	s24 =	sld [smem:$0x3FFE];
	[sflag:s23] =	ssyncadd.s32 $0xFFFFFFFF  }
0xa5: {  	s26 =	simm.s32 $execute0_lowered;
	[smem:$0x3FD2] =	sst s25  }
0xa6: {  	s5 =	sshll.u32 s26, $0x1;
	_ =	strace $0x80000046;
	[dreg:$0x1] =	wrdreg $0xFFFFFFFF  }
0xa7: {  	s28 =	simm.s32 $_size_execute0_lowered;
	s3 =	sadd.s32 s3, s5;
	[dreg:$0x0] =	wrdreg $0x0  }
0xa8: {  	s5 =	sshll.u32 s28, $0x1;
	[dreg:$0x2] =	wrdreg s3  }
0xa9: {  	[dreg:$0x3] =	wrdreg s5  }
0xaa: {  	[dreg:$0x4] =	wrdreg $0xC0  }
0xab: {  	_ =	task [dreg:s7], $0x5FFFF  }
0xac: {  	[dreg:$0x1] =	wrdreg $0xFFFFFFFF  }
0xad: {  	[dreg:$0x0] =	wrdreg $0x60  }
0xae: {  	[dreg:$0x2] =	wrdreg s24  }
0xaf: {  	[dreg:$0x3] =	wrdreg s2  }
0xb0: {  	[dreg:$0x4] =	wrdreg $0x9  }
0xb1: {  	_ =	task.clear_ibuf [dreg:s7], $0x5FFFF;
	_ =	strace $0x90000046  }
0xb2: {  	s29 =	simm.s32 $0x9;
	_ =	strace $0x8000004B  }
0xb3: {  	_ =	swait.ge [sflag:s29], $0x1  }
0xb4: {  	[sflag:s29] =	ssyncadd.s32 $0xFFFFFFFF  }
0xb5: {  	_ =	strace $0x9000004B  }
0xb6: {  	_ =	sfence  }
0xb7: {  	s30 =	sld [smem:$0x0];
	_ =	sdelay $0x2  }
0xb8: {  	s31 =	sshll.u32 s1, $0xD;
	s1 =	sshrl.u32 s1, $0x2  }
0xb9: {  	s3 =	sand.u32 $0x4000, s31;
	s1 =	sadd.s32 s1, s30  }
0xba: {  	s0 =	sor.u32 s3, s0;
	s1 =	sshll.u32 s1, $0x11  }
0xbb: {  	s0 =	sor.u32 s1, s0  }
0xbc: {  	s0 =	sadd.s32 $0x8F2B, s0  }
0xbd: {  	[sflag:s0] =	ssyncadd.remote.s32 $0x1  }
0xbe: {  	_ =	sfence.sel $0xFFFF  }
0xbf: {  	[dreg:$0x0] =	wrdreg $0xFFFFFFFF;
	(pc) =	sbr.abs _section_cstart, $3  }
0xc0: {  	[dreg:$0x1] =	wrdreg $0xFFFFFFFF  }
0xc1: {  	_ =	task.clear_ibuf [dreg:s7], $0x2FFFF;
	_ =	strace $0x9FFFFFFF  }
0xc2: {  	(tm) =	ssettm $0x7FFFFFFF  }
0xc3: {  	_ =	shalt  }
tec
execute0_lowered:
.L_overlay_start_1:
0x0: {  	(tag) =	ssettag $0x1  }
0x1: {  	s1 =	stileid.u32  }
0x2: {  	p0 =	sgt.u32 s1, $0x7  }
.Ltmp0:
0x3: {  	_ = 	snop;
	(pc) =	sbr.rel @p0 .LBB2_13-.Ltmp0, $4  }
0x4: {  	s4 =	rddreg [dreg:$0x0]  }
0x5: {  	s5 =	rddreg [dreg:$0x1];
	s2 =	simm.s32 $0x0  }
0x6: {  	[smem:$0x7FF] =	sst s2  }
0x7: {  	s0 =	rddreg [dreg:$0x2];
	_ =	strace $0x80000047  }
0x8: {  	s3 =	srdreg.scid  }
0x9: {  	s7 =	sshll.u32 s1, $0x1;
	s8 =	sshll.u32 s1, $0xC;
	s10 =	simm.s32 $0x2  }
0xa: {  	s11 =	simm.s32 $0x80;
	s12 =	simm.s32 $0x400;
	s13 =	simm.s32 $0x3  }
0xb: {  	s14 =	simm.s32 $0x0;
	s6 =	sand.u32 $0x1, s3;
	s3 =	sadd.s32 $0x800, s4  }
.Ltmp1:
0xc: {  	v0 =	vlaneseq.u32;
	v3 =	vimm.s32 $0x0;
	vm0 =	vcmask $0xB00;
	s8 =	sand.u32 $0x4000, s8;
	s4 =	sadd.s32 $0x1000, s4;
	(pc) =	sbr.rel .LBB2_2-.Ltmp1, $4  }
0xd: {  	vm14 =	vcmask $0x700;
	vm15 =	vcmask $0x300;
	v9 =	vmul.u32 $0x401, v0;
	s7 =	sor.u32 s6, s7;
	s6 =	ssub.s32 $0x2, s6;
	s5 =	sadd.s32 s5, s8  }
0xe: {  	v2 =	vadd.s32 $0xFFFFFFF1, v0;
	v5 =	vsel vm0, $0x10, v3;
	v7 =	vsel vm14, $0x10, v3;
	s8 =	simm.s32 $0x1;
	s9 =	sshll.u32 s7, $0x4;
	s31 =	sshrl.u32 s6, $0x1  }
0xf: {  	v10 =	vsel vm15, $0x10, v3;
	v1 =	vmov s7;
	s7 =	simm.s32 $0x8080;
	v4 =	vadd.s32 $0xFFFFFFF1, v9;
	s30 =	sand.u32 $0x70, s9;
	s6 =	ssub.s32 s6, s31  }
0x10: {  	v6 =	vadd.s32 $0x3FD, v9;
	v8 =	vadd.s32 $0x3FE, v9;
	v9 =	vadd.s32 $0x3FF, v9;
	s9 =	simm.s32 $0x4000;
	s5 =	sadd.s32 s30, s5;
	s6 =	smax.u32 s6, $0x1  }
.LBB2_6:
0x11: {  	s19 =	simm.s32 $0x4000  }
.LBB2_11:
0x12: {  	_ =	sdelay $0x3  }
0x13: {  	s17 =	sadd.s32 @p0 $0x10, s19  }
0x14: {  	vm1 =	vlt.u32 v14, v11;
	[tilespmem:v15+s7+$0x0] =	vst.idx.msk @p0 vm0, v13;
	s15 =	smov.u32 @p0 s17  }
0x15: {  	v12 =	vadd.s32 s16, v12;
	v11 =	vld [tilespmem:s15+$0x0];
	_ =	sdelay $0x4  }
0x16: {  	[tilespmem:v12+s7+$0x0] =	vst.idx.msk vm1, v11  }
.LBB2_12:
0x17: {  	_ =	strace $0x90000049;
	s14 =	sadd.s32 $0x1, s14  }
0x18: {  	_ =	strace $0x8000004A;
	p0 =	sne.s32 s14, s6  }
0x19: {  	[hbm4b:s5+s11] =	stream.strided.scatter [tilespmem:s7], [sflag:$0x3], $0x4000, s12, s11, $0x200038;
	[tilespmem:$0xC100] =	vst v63  }
.Ltmp2:
0x1a: {  	_ = 	snop;
	(pc) =	sbr.rel @!p0 .LBB2_13-.Ltmp2, $4  }
0x1b: {  	_ =	swait.ge [sflag:s13], $0x4000  }
0x1c: {  	[sflag:s13] =	ssyncset.done $0x0  }
0x1d: {  	[sflag:s13] =	ssyncadd.s32 $0xFFFFC000  }
0x1e: {  	_ =	strace $0x9000004A  }
.LBB2_2:
0x1f: {  	s15 =	simm.s32 $0x0  }
0x20: {  	[tilespmem:s15], [sflag:$0x1] =	stream.linear.gather [hbm4b:s3+s15], $0x4000, $0x38;
	[tilespmem:$0xC100] =	vst v63  }
0x21: {  	_ = 	snop  }
0x22: {  	[tilespmem:s7], [sflag:$0x2] =	stream.linear.gather [hbm4b:s4+s15], $0x4000, $0x38;
	[tilespmem:$0xC100] =	vst v63  }
0x23: {  	_ =	swait.ge [sflag:s8], $0x4000  }
0x24: {  	[sflag:s8] =	ssyncset.done $0x0  }
0x25: {  	[sflag:s8] =	ssyncadd.s32 $0xFFFFC000  }
0x26: {  	v11 =	vimm.s32 $0x0;
	_ =	strace $0x80000048  }
.LBB2_3:
0x27: {  	v12 =	vadd.s32 s15, v2  }
0x28: {  	vm0 =	vlt.u32 v12, $0x400  }
0x29: {  	v51 =	vadd.s32 s15, v4;
	_ =	sdelay $0x2  }
0x2a: {  	s16 =	sadd.s32 $0x1, s15  }
0x2b: {  	v13 =	vadd.s32 s16, v2  }
0x2c: {  	v15 =	vadd.s32 v0, v11;
	vm1 =	vlt.u32 v13, $0x400;
	v14 =	vld.idx.msk [tilespmem:v51+s2+$0x0], vm0  }
0x2d: {  	v52 =	vadd.s32 s16, v4;
	_ =	sdelay $0x3  }
0x2e: {  	[tilespmem:v15+s9+$0x0] =	vst.idx.msk $0xffff, v51;
	vm2 =	veq.s32 v14, v1  }
0x2f: {  	v12 =	vld.idx.msk [tilespmem:v52+s2+$0x0], vm1;
	vm0 =	vmand vm0, vm2  }
0x30: {  	s30 =	sadd.s32 $0x2, s15;
	v53 =	vsel vm0, $0x10, v3  }
0x31: {  	v54 =	vadd.s32 s30, v2;
	v11 =	vadd.s32 v11, v53  }
0x32: {  	vm11 =	vlt.u32 v54, $0x400;
	v55 =	vadd.s32 v0, v11  }
0x33: {  	v56 =	vadd.s32 s30, v4  }
0x34: {  	vm12 =	veq.s32 v12, v1  }
0x35: {  	vm1 =	vmand vm1, vm12  }
0x36: {  	s31 =	sadd.s32 $0x3, s15;
	v57 =	vsel vm1, $0x10, v3  }
0x37: {  	v58 =	vadd.s32 s31, v2;
	v11 =	vadd.s32 v11, v57;
	[tilespmem:v55+s9+$0x0] =	vst.idx.msk $0xffff, v52  }
0x38: {  	vm13 =	vlt.u32 v58, $0x400;
	v59 =	vadd.s32 v0, v11;
	v13 =	vld.idx.msk [tilespmem:v56+s2+$0x0], vm11  }
0x39: {  	v60 =	vadd.s32 s31, v4;
	_ =	sdelay $0x3  }
0x3a: {  	[tilespmem:v59+s9+$0x0] =	vst.idx.msk $0xffff, v56;
	vm14 =	veq.s32 v13, v1  }
0x3b: {  	v61 =	vld.idx.msk [tilespmem:v60+s2+$0x0], vm13;
	vm0 =	vmand vm11, vm14  }
0x3c: {  	v62 =	vsel vm0, $0x10, v3  }
0x3d: {  	v11 =	vadd.s32 v11, v62  }
0x3e: {  	p0 =	slt.u32 s15, $0x408;
	v14 =	vadd.s32 v0, v11  }
.Ltmp3:
0x3f: {  	_ = 	snop;
	(pc) =	sbr.rel @p0 .LBB2_3-.Ltmp3, $4  }
0x40: {  	vm15 =	veq.s32 v61, v1  }
0x41: {  	vm0 =	vmand vm13, vm15  }
0x42: {  	v63 =	vsel vm0, $0x10, v3  }
0x43: {  	s15 =	sadd.s32 $0x4, s15;
	v11 =	vadd.s32 v11, v63;
	[tilespmem:v14+s9+$0x0] =	vst.idx.msk $0xffff, v60  }
0x44: {  	_ =	sdelay $0x2  }
0x45: {  	s16 =	simm.s32 $0x0  }
0x46: {  	v12 =	vld.idx.msk [tilespmem:v6+s16+$0x0], $0x7;
	_ =	sdelay $0x1  }
0x47: {  	v13 =	vadd.s32 v0, v11;
	_ =	sdelay $0x2  }
0x48: {  	vm0 =	veq.s32 v12, v1  }
0x49: {  	s15 =	simm.s32 $0x4000;
	v12 =	vnsel vm0, $0x0, v5  }
0x4a: {  	[tilespmem:v13+s15+$0x0] =	vst.idx.msk $0xffff, v6;
	v11 =	vadd.s32 v11, v12  }
0x4b: {  	v12 =	vld.idx.msk [tilespmem:v8+s16+$0x0], $0x3;
	v13 =	vadd.s32 v0, v11;
	_ =	sdelay $0x4  }
0x4c: {  	vm14 =	veq.s32 v12, v1;
	[tilespmem:v13+s15+$0x0] =	vst.idx.msk $0xffff, v8  }
0x4d: {  	v12 =	vnsel vm14, $0x0, v7;
	v13 =	vld.idx.msk [tilespmem:v9+s16+$0x0], $0x1  }
0x4e: {  	v11 =	vadd.s32 v11, v12  }
0x4f: {  	v12 =	vadd.s32 v0, v11;
	_ =	sdelay $0x2  }
0x50: {  	vm15 =	veq.s32 v13, v1  }
0x51: {  	v13 =	vnsel vm15, $0x0, v10  }
0x52: {  	[tilespmem:v12+s15+$0x0] =	vst.idx.msk $0xffff, v9;
	v11 =	vadd.s32 v11, v13  }
0x53: {  	_ =	strace $0x90000048;
	v11 =	vshrl.u32 v11, $0x4  }
0x54: {  	(xrf0) =	vadd.scan.msk.s32 $0xffff, v11;
	v12 =	vor.u32 $0x80000000, v11  }
0x55: {  	(xrf0) =	vmax.scan.msk.u32 $0xffff, v12;
	_ =	sdelay $0x4  }
0x56: {  	v12, _, _ =	vpop (xrf0)  }
0x57: {  	v13, _, _ =	vpop (xrf0)  }
0x58: {  	(v2sf) =	vpush v13, $0xF;
	_ =	sdelay $0xe  }
0x59: {  	s17 =	spop (v2sf)  }
0x5a: {  	s17 =	sxor.u32 $0x80000000, s17  }
0x5b: {  	p0 =	slt.s32 s17, $0x1  }
.Ltmp4:
0x5c: {  	_ = 	snop;
	(pc) =	sbr.rel @p0 .LBB2_12-.Ltmp4, $4  }
0x5d: {  	_ =	swait.ge [sflag:s10], $0x4000  }
0x5e: {  	[sflag:s10] =	ssyncset.done $0x0  }
0x5f: {  	[sflag:s10] =	ssyncadd.s32 $0xFFFFC000  }
0x60: {  	_ =	strace $0x80000049  }
0x61: {  	p1 =	sne.s32 s17, $0x1  }
.Ltmp5:
0x62: {  	_ = 	snop;
	(pc) =	sbr.rel @!p1 .LBB2_6-.Ltmp5, $2  }
0x63: {  	_ =	sdelay $0x2  }
0x64: {  	v12 =	vsub.s32 v12, v11;
	s18 =	simm.s32 $0x1;
	v14 =	vmov s16;
	p0 =	por $0x0, $0x0  }
0x65: {  	p1 =	sne.s32 s17, $0x2  }
.Ltmp6:
0x66: {  	vm0 =	vlt.u32 v14, v11;
	(pc) =	sbr.rel @!p1 .LBB2_8-.Ltmp6, $2  }
0x67: {  	v13 =	vld [tilespmem:s15+$0x0];
	v15 =	vadd.s32 s16, v12;
	_ =	sdelay $0x2  }
0x68: {  	s20 =	simm.s32 $0x2;
	v14 =	vmov s18;
	p0 =	por $0x1, $0x1;
	s19 =	simm.s32 $0x4000  }
.LBB2_9:
0x69: {  	s16 =	smov.u32 s20;
	s20 =	sadd.s32 $0x1, s20  }
0x6a: {  	[tilespmem:v15+s7+$0x0] =	vst.idx.msk vm0, v13;
	vm0 =	vlt.u32 v14, v11;
	s19 =	sadd.s32 $0x10, s19;
	p1 =	sne.s32 s17, s20  }
.Ltmp7:
0x6b: {  	v15 =	vadd.s32 s18, v12;
	v13 =	vld [tilespmem:s19+$0x0];
	s18 =	smov.u32 s16;
	(pc) =	sbr.rel @p1 .LBB2_9-.Ltmp7, $2  }
0x6c: {  	_ =	sdelay $0x2  }
0x6d: {  	v14 =	vmov s18  }
.Ltmp8:
0x6e: {  	(pc) =	sbr.rel .LBB2_11-.Ltmp8, $2  }
0x6f: {  	_ =	sdelay $0x2  }
0x70: {  	s16 =	smov.u32 s18  }
.LBB2_8:
.Ltmp9:
0x71: {  	(pc) =	sbr.rel .LBB2_11-.Ltmp9, $2  }
0x72: {  	_ =	sdelay $0x2  }
0x73: {  	s19 =	simm.s32 $0x4000;
	s16 =	simm.s32 $0x1  }
.LBB2_13:
0x74: {  	_ =	sfence.sel $0x180000  }
0x75: {  	[bflag:$0x0] =	sbarrier.arrive $0xFFFF  }
0x76: {  	p0 =	sne.s32 s1, $0x0;
	_ =	strace $0x90000047  }
0x77: {  	s0 =	sadd.s32 @!p0 $0x100000, s0;
	[bflag:$0x2] =	sbarrier.arrive $0xFFFF  }
0x78: {  	[sflag:s0] =	ssyncadd.tile.s32 @!p0 $0x1;
	_ =	shalt  }
.Lfunc_end2:
_tile_overlayer_lowered:
.L_overlay_start_2:
0x79: {  	(tag) =	ssettag $0x2  }
0x7a: {  	s0 =	rddreg [dreg:$0x0];
	s2 =	stileid.u32  }
0x7b: {  	s1 =	rddreg [dreg:$0x1];
	p0 =	sne.s32 s2, $0x0  }
0x7c: {  	s3 =	rddreg [dreg:$0x2];
	[bflag:$0x3] =	sbarrier.arrive $0xFFFF;
	s2 =	simm.s32 @!p0 $0x1C03  }
0x7d: {  	[timem:s3], [sflag:s2] =	dma.local @!p0 [hbm:s0], s1  }
0x7e: {  	s0 =	simm.s32 @!p0 $0x3  }
0x7f: {  	_ =	swait.ge @!p0 [sflag:s0], s1  }
0x80: {  	s1 =	ssub.s32 @!p0 $0x0, s1;
	[sflag:s0] =	ssyncset.done @!p0 $0x0  }
0x81: {  	[sflag:s0] =	ssyncadd.s32 @!p0 s1  }
0x82: {  	[bflag:$0x3] =	sbarrier.arrive $0xFFFF  }
0x83: {  	_ =	shalt  }

</sc_bundles>
